<compile_context>
chip_gen: v7x
topology: tpu7x:2x2x1
jax: 0.10.2.dev20260603
libtpu: 0.0.44.dev20260713+nightly
codegen_flags: <defaults>
</compile_context>

<pallas_src>
import functools

import jax
import jax.numpy as jnp
from jax.experimental import pallas as pl
from jax.experimental.pallas import tpu as pltpu, tpu_sc as plsc

_DIM = 256
_LANES = 16


def _sc_row_lookup(idx, table_flat):
    mesh = plsc.VectorSubcoreMesh(
        core_axis_name="c", subcore_axis_name="s", num_cores=1, num_subcores=1
    )

    @functools.partial(
        pl.kernel,
        mesh=mesh,
        out_type=jax.ShapeDtypeStruct((_DIM,), jnp.float32),
        scratch_types=[
            pltpu.VMEM((_LANES,), jnp.int32),
            pltpu.VMEM((4 * _DIM,), jnp.float32),
            pltpu.VMEM((_DIM,), jnp.float32),
            pltpu.SemaphoreType.DMA,
            pltpu.SemaphoreType.DMA,
        ],
    )
    def k(idx_hbm, table_hbm, out_hbm, idx_v, tab_v, row_v, sem1, sem2):
        cp_idx = pltpu.async_copy(idx_hbm, idx_v, sem1)
        cp_tab = pltpu.async_copy(table_hbm, tab_v, sem2)
        cp_idx.wait()
        sel = idx_v[...]
        cp_tab.wait()
        for j in range(_DIM // _LANES):
            off = _LANES * j
            v = tab_v[pl.ds(3 * _DIM + off, _LANES)]
            for r in (2, 1, 0):
                v = jnp.where(sel == r, tab_v[pl.ds(r * _DIM + off, _LANES)], v)
            row_v[pl.ds(off, _LANES)] = v
        pltpu.sync_copy(row_v, out_hbm)

    return k(idx, table_flat)


def kernel(tensor_list, scale, scale_embed_weight):
    idx = jnp.full((_LANES,), jnp.asarray(scale, jnp.int32), jnp.int32)
    row = _sc_row_lookup(idx, scale_embed_weight.reshape((-1,)))
    return row.reshape((1, _DIM, 1, 1))

# --- scband reference (transcript-rebuilt; emitter-appended) ---
"""Pipeline reference for scband-scale-embedding-learned-50938312130597 (READ-ONLY COPY).

The authoritative reference and input builder live on the scoring server;
editing this copy changes nothing except your own understanding.
"""

import jax, jax.numpy as jnp
import numpy as np


def setup_inputs(seed: int = 0) -> dict:
    key = jax.random.key(seed)
    k1, k2 = jax.random.split(key)
    tensor_list = jax.random.normal(k1, (4, 256, 64, 64), dtype=jnp.float32)
    scale = 2  # python int scalar, 0 <= scale < scales=4
    scale_embed_weight = jax.random.normal(k2, (4, 256), dtype=jnp.float32)
    return {"tensor_list": tensor_list, "scale": scale, "scale_embed_weight": scale_embed_weight}


def reference(tensor_list, scale, scale_embed_weight):
    # scale_embed = Embedding(scales, dim)(tensor([scale]))  -> [1, dim]
    idx = jnp.array([scale], dtype=jnp.int64)
    scale_embed = jnp.take(scale_embed_weight, idx, axis=0)  # [1, dim]
    # unsqueeze(-1).unsqueeze(-1) -> [1, dim, 1, 1]
    scale_embed = scale_embed[:, :, None, None]
    return scale_embed

if __name__ == "__main__":
    import jax
    _d = setup_inputs()
    print(jax.jit(kernel)(*tuple(_d.values())))

</pallas_src>

<mosaic_0001>
#map = affine_map<(d0, d1) -> (0)>
module attributes {stable_mosaic.version = 14 : i64} {
  func.func @k(%arg0: i32, %arg1: i32, %arg2: memref<16xi32, #tpu.memory_space<hbm>>, %arg3: memref<1024xf32, #tpu.memory_space<hbm>>, %arg4: memref<256xf32, #tpu.memory_space<hbm>>, %arg5: memref<16xi32, #tpu.memory_space<vmem>>, %arg6: memref<1024xf32, #tpu.memory_space<vmem>>, %arg7: memref<256xf32, #tpu.memory_space<vmem>>, %arg8: memref<!tpu.dma_semaphore, #tpu.memory_space<semaphore_mem>>, %arg9: memref<!tpu.dma_semaphore, #tpu.memory_space<semaphore_mem>>) attributes {dimension_semantics = [#tpu.dimension_semantics<core_parallel>, #tpu.dimension_semantics<subcore_parallel>], iteration_bounds = array<i64: 1, 1>, scalar_prefetch = 0 : i64, scratch_operands = 5 : i64, tpu.core_type = #tpu.core_type<sc_vector_subcore>, window_params = [{transform_indices = #map}, {transform_indices = #map}, {transform_indices = #map}]} {
    tpu.enqueue_dma source(%arg2 : memref<16xi32, #tpu.memory_space<hbm>>) target(%arg5 : memref<16xi32, #tpu.memory_space<vmem>>) target_semaphore(%arg8 : memref<!tpu.dma_semaphore, #tpu.memory_space<semaphore_mem>>)
    tpu.enqueue_dma source(%arg3 : memref<1024xf32, #tpu.memory_space<hbm>>) target(%arg6 : memref<1024xf32, #tpu.memory_space<vmem>>) target_semaphore(%arg9 : memref<!tpu.dma_semaphore, #tpu.memory_space<semaphore_mem>>)
    tpu.wait_dma2 semaphore(%arg8 : memref<!tpu.dma_semaphore, #tpu.memory_space<semaphore_mem>>) src(%arg2 : memref<16xi32, #tpu.memory_space<hbm>>) dst(%arg5 : memref<16xi32, #tpu.memory_space<vmem>>)
    %get3A = arith.constant 0 : index
    %get3A_0 = tpu.vector_load %arg5[%get3A] {strides = array<i32>} : memref<16xi32, #tpu.memory_space<vmem>>, vector<16xi32>,
    %get3A_1 = vector.shape_cast %get3A_0 : vector<16xi32> to vector<16xi32>
    tpu.wait_dma2 semaphore(%arg9 : memref<!tpu.dma_semaphore, #tpu.memory_space<semaphore_mem>>) src(%arg3 : memref<1024xf32, #tpu.memory_space<hbm>>) dst(%arg6 : memref<1024xf32, #tpu.memory_space<vmem>>)
    %get3A_2 = arith.constant 768 : index
    %get3A_3 = tpu.vector_load %arg6[%get3A_2] {strides = array<i32>} : memref<1024xf32, #tpu.memory_space<vmem>>, vector<16xf32>,
    %get3A_4 = vector.shape_cast %get3A_3 : vector<16xf32> to vector<16xf32>
    %eq3A = arith.constant 2 : i32
    %eq3A_5 = vector.broadcast %eq3A : i32 to vector<16xi32>
    %eq3A_6 = arith.cmpi eq, %get3A_1, %eq3A_5 : vector<16xi32>
    %get3A_7 = arith.constant 512 : index
    %get3A_8 = tpu.vector_load %arg6[%get3A_7] {strides = array<i32>} : memref<1024xf32, #tpu.memory_space<vmem>>, vector<16xf32>,
    %get3A_9 = vector.shape_cast %get3A_8 : vector<16xf32> to vector<16xf32>
    %select_n3A = arith.select %eq3A_6, %get3A_9, %get3A_4 : vector<16xi1>, vector<16xf32>
    %eq3A_10 = arith.constant 1 : i32
    %eq3A_11 = vector.broadcast %eq3A_10 : i32 to vector<16xi32>
    %eq3A_12 = arith.cmpi eq, %get3A_1, %eq3A_11 : vector<16xi32>
    %get3A_13 = arith.constant 256 : index
    %get3A_14 = tpu.vector_load %arg6[%get3A_13] {strides = array<i32>} : memref<1024xf32, #tpu.memory_space<vmem>>, vector<16xf32>,
    %get3A_15 = vector.shape_cast %get3A_14 : vector<16xf32> to vector<16xf32>
    %select_n3A_16 = arith.select %eq3A_12, %get3A_15, %select_n3A : vector<16xi1>, vector<16xf32>
    %eq3A_17 = arith.constant 0 : i32
    %eq3A_18 = vector.broadcast %eq3A_17 : i32 to vector<16xi32>
    %eq3A_19 = arith.cmpi eq, %get3A_1, %eq3A_18 : vector<16xi32>
    %get3A_20 = arith.constant 0 : index
    %get3A_21 = tpu.vector_load %arg6[%get3A_20] {strides = array<i32>} : memref<1024xf32, #tpu.memory_space<vmem>>, vector<16xf32>,
    %get3A_22 = vector.shape_cast %get3A_21 : vector<16xf32> to vector<16xf32>
    %select_n3A_23 = arith.select %eq3A_19, %get3A_22, %select_n3A_16 : vector<16xi1>, vector<16xf32>
    %swap3A = arith.constant 0 : index
    %swap3A_24 = tpu.vector_load %arg7[%swap3A] {strides = array<i32>} : memref<256xf32, #tpu.memory_space<vmem>>, vector<16xf32>,
    %swap3A_25 = vector.shape_cast %swap3A_24 : vector<16xf32> to vector<16xf32>
    %swap3A_26 = vector.shape_cast %select_n3A_23 : vector<16xf32> to vector<16xf32>
    tpu.vector_store %arg7[%swap3A], %swap3A_26 {strides = array<i32>} : memref<256xf32, #tpu.memory_space<vmem>>, vector<16xf32>,
    %get3A_27 = arith.constant 784 : index
    %get3A_28 = tpu.vector_load %arg6[%get3A_27] {strides = array<i32>} : memref<1024xf32, #tpu.memory_space<vmem>>, vector<16xf32>,
    %get3A_29 = vector.shape_cast %get3A_28 : vector<16xf32> to vector<16xf32>
    %eq3A_30 = arith.constant 2 : i32
    %eq3A_31 = vector.broadcast %eq3A_30 : i32 to vector<16xi32>
    %eq3A_32 = arith.cmpi eq, %get3A_1, %eq3A_31 : vector<16xi32>
    %get3A_33 = arith.constant 528 : index
    %get3A_34 = tpu.vector_load %arg6[%get3A_33] {strides = array<i32>} : memref<1024xf32, #tpu.memory_space<vmem>>, vector<16xf32>,
    %get3A_35 = vector.shape_cast %get3A_34 : vector<16xf32> to vector<16xf32>
    %select_n3A_36 = arith.select %eq3A_32, %get3A_35, %get3A_29 : vector<16xi1>, vector<16xf32>
    %eq3A_37 = arith.constant 1 : i32
    %eq3A_38 = vector.broadcast %eq3A_37 : i32 to vector<16xi32>
    %eq3A_39 = arith.cmpi eq, %get3A_1, %eq3A_38 : vector<16xi32>
    %get3A_40 = arith.constant 272 : index
    %get3A_41 = tpu.vector_load %arg6[%get3A_40] {strides = array<i32>} : memref<1024xf32, #tpu.memory_space<vmem>>, vector<16xf32>,
    %get3A_42 = vector.shape_cast %get3A_41 : vector<16xf32> to vector<16xf32>
    %select_n3A_43 = arith.select %eq3A_39, %get3A_42, %select_n3A_36 : vector<16xi1>, vector<16xf32>
    %eq3A_44 = arith.constant 0 : i32
    %eq3A_45 = vector.broadcast %eq3A_44 : i32 to vector<16xi32>
    %eq3A_46 = arith.cmpi eq, %get3A_1, %eq3A_45 : vector<16xi32>
    %get3A_47 = arith.constant 16 : index
    %get3A_48 = tpu.vector_load %arg6[%get3A_47] {strides = array<i32>} : memref<1024xf32, #tpu.memory_space<vmem>>, vector<16xf32>,
    %get3A_49 = vector.shape_cast %get3A_48 : vector<16xf32> to vector<16xf32>
    %select_n3A_50 = arith.select %eq3A_46, %get3A_49, %select_n3A_43 : vector<16xi1>, vector<16xf32>
    %swap3A_51 = arith.constant 16 : index
    %swap3A_52 = tpu.vector_load %arg7[%swap3A_51] {strides = array<i32>} : memref<256xf32, #tpu.memory_space<vmem>>, vector<16xf32>,
    %swap3A_53 = vector.shape_cast %swap3A_52 : vector<16xf32> to vector<16xf32>
    %swap3A_54 = vector.shape_cast %select_n3A_50 : vector<16xf32> to vector<16xf32>
    tpu.vector_store %arg7[%swap3A_51], %swap3A_54 {strides = array<i32>} : memref<256xf32, #tpu.memory_space<vmem>>, vector<16xf32>,
    %get3A_55 = arith.constant 800 : index
    %get3A_56 = tpu.vector_load %arg6[%get3A_55] {strides = array<i32>} : memref<1024xf32, #tpu.memory_space<vmem>>, vector<16xf32>,
    %get3A_57 = vector.shape_cast %get3A_56 : vector<16xf32> to vector<16xf32>
    %eq3A_58 = arith.constant 2 : i32
    %eq3A_59 = vector.broadcast %eq3A_58 : i32 to vector<16xi32>
    %eq3A_60 = arith.cmpi eq, %get3A_1, %eq3A_59 : vector<16xi32>
    %get3A_61 = arith.constant 544 : index
    %get3A_62 = tpu.vector_load %arg6[%get3A_61] {strides = array<i32>} : memref<1024xf32, #tpu.memory_space<vmem>>, vector<16xf32>,
    %get3A_63 = vector.shape_cast %get3A_62 : vector<16xf32> to vector<16xf32>
    %select_n3A_64 = arith.select %eq3A_60, %get3A_63, %get3A_57 : vector<16xi1>, vector<16xf32>
    %eq3A_65 = arith.constant 1 : i32
    %eq3A_66 = vector.broadcast %eq3A_65 : i32 to vector<16xi32>
    %eq3A_67 = arith.cmpi eq, %get3A_1, %eq3A_66 : vector<16xi32>
    %get3A_68 = arith.constant 288 : index
    %get3A_69 = tpu.vector_load %arg6[%get3A_68] {strides = array<i32>} : memref<1024xf32, #tpu.memory_space<vmem>>, vector<16xf32>,
    %get3A_70 = vector.shape_cast %get3A_69 : vector<16xf32> to vector<16xf32>
    %select_n3A_71 = arith.select %eq3A_67, %get3A_70, %select_n3A_64 : vector<16xi1>, vector<16xf32>
    %eq3A_72 = arith.constant 0 : i32
    %eq3A_73 = vector.broadcast %eq3A_72 : i32 to vector<16xi32>
    %eq3A_74 = arith.cmpi eq, %get3A_1, %eq3A_73 : vector<16xi32>
    %get3A_75 = arith.constant 32 : index
    %get3A_76 = tpu.vector_load %arg6[%get3A_75] {strides = array<i32>} : memref<1024xf32, #tpu.memory_space<vmem>>, vector<16xf32>,
    %get3A_77 = vector.shape_cast %get3A_76 : vector<16xf32> to vector<16xf32>
    %select_n3A_78 = arith.select %eq3A_74, %get3A_77, %select_n3A_71 : vector<16xi1>, vector<16xf32>
    %swap3A_79 = arith.constant 32 : index
    %swap3A_80 = tpu.vector_load %arg7[%swap3A_79] {strides = array<i32>} : memref<256xf32, #tpu.memory_space<vmem>>, vector<16xf32>,
    %swap3A_81 = vector.shape_cast %swap3A_80 : vector<16xf32> to vector<16xf32>
    %swap3A_82 = vector.shape_cast %select_n3A_78 : vector<16xf32> to vector<16xf32>
    tpu.vector_store %arg7[%swap3A_79], %swap3A_82 {strides = array<i32>} : memref<256xf32, #tpu.memory_space<vmem>>, vector<16xf32>,
    %get3A_83 = arith.constant 816 : index
    %get3A_84 = tpu.vector_load %arg6[%get3A_83] {strides = array<i32>} : memref<1024xf32, #tpu.memory_space<vmem>>, vector<16xf32>,
    %get3A_85 = vector.shape_cast %get3A_84 : vector<16xf32> to vector<16xf32>
    %eq3A_86 = arith.constant 2 : i32
    %eq3A_87 = vector.broadcast %eq3A_86 : i32 to vector<16xi32>
    %eq3A_88 = arith.cmpi eq, %get3A_1, %eq3A_87 : vector<16xi32>
    %get3A_89 = arith.constant 560 : index
    %get3A_90 = tpu.vector_load %arg6[%get3A_89] {strides = array<i32>} : memref<1024xf32, #tpu.memory_space<vmem>>, vector<16xf32>,
    %get3A_91 = vector.shape_cast %get3A_90 : vector<16xf32> to vector<16xf32>
    %select_n3A_92 = arith.select %eq3A_88, %get3A_91, %get3A_85 : vector<16xi1>, vector<16xf32>
    %eq3A_93 = arith.constant 1 : i32
    %eq3A_94 = vector.broadcast %eq3A_93 : i32 to vector<16xi32>
    %eq3A_95 = arith.cmpi eq, %get3A_1, %eq3A_94 : vector<16xi32>
    %get3A_96 = arith.constant 304 : index
    %get3A_97 = tpu.vector_load %arg6[%get3A_96] {strides = array<i32>} : memref<1024xf32, #tpu.memory_space<vmem>>, vector<16xf32>,
    %get3A_98 = vector.shape_cast %get3A_97 : vector<16xf32> to vector<16xf32>
    %select_n3A_99 = arith.select %eq3A_95, %get3A_98, %select_n3A_92 : vector<16xi1>, vector<16xf32>
    %eq3A_100 = arith.constant 0 : i32
    %eq3A_101 = vector.broadcast %eq3A_100 : i32 to vector<16xi32>
    %eq3A_102 = arith.cmpi eq, %get3A_1, %eq3A_101 : vector<16xi32>
    %get3A_103 = arith.constant 48 : index
    %get3A_104 = tpu.vector_load %arg6[%get3A_103] {strides = array<i32>} : memref<1024xf32, #tpu.memory_space<vmem>>, vector<16xf32>,
    %get3A_105 = vector.shape_cast %get3A_104 : vector<16xf32> to vector<16xf32>
    %select_n3A_106 = arith.select %eq3A_102, %get3A_105, %select_n3A_99 : vector<16xi1>, vector<16xf32>
    %swap3A_107 = arith.constant 48 : index
    %swap3A_108 = tpu.vector_load %arg7[%swap3A_107] {strides = array<i32>} : memref<256xf32, #tpu.memory_space<vmem>>, vector<16xf32>,
    %swap3A_109 = vector.shape_cast %swap3A_108 : vector<16xf32> to vector<16xf32>
    %swap3A_110 = vector.shape_cast %select_n3A_106 : vector<16xf32> to vector<16xf32>
    tpu.vector_store %arg7[%swap3A_107], %swap3A_110 {strides = array<i32>} : memref<256xf32, #tpu.memory_space<vmem>>, vector<16xf32>,
    %get3A_111 = arith.constant 832 : index
    %get3A_112 = tpu.vector_load %arg6[%get3A_111] {strides = array<i32>} : memref<1024xf32, #tpu.memory_space<vmem>>, vector<16xf32>,
    %get3A_113 = vector.shape_cast %get3A_112 : vector<16xf32> to vector<16xf32>
    %eq3A_114 = arith.constant 2 : i32
    %eq3A_115 = vector.broadcast %eq3A_114 : i32 to vector<16xi32>
    %eq3A_116 = arith.cmpi eq, %get3A_1, %eq3A_115 : vector<16xi32>
    %get3A_117 = arith.constant 576 : index
    %get3A_118 = tpu.vector_load %arg6[%get3A_117] {strides = array<i32>} : memref<1024xf32, #tpu.memory_space<vmem>>, vector<16xf32>,
    %get3A_119 = vector.shape_cast %get3A_118 : vector<16xf32> to vector<16xf32>
    %select_n3A_120 = arith.select %eq3A_116, %get3A_119, %get3A_113 : vector<16xi1>, vector<16xf32>
    %eq3A_121 = arith.constant 1 : i32
    %eq3A_122 = vector.broadcast %eq3A_121 : i32 to vector<16xi32>
    %eq3A_123 = arith.cmpi eq, %get3A_1, %eq3A_122 : vector<16xi32>
    %get3A_124 = arith.constant 320 : index
    %get3A_125 = tpu.vector_load %arg6[%get3A_124] {strides = array<i32>} : memref<1024xf32, #tpu.memory_space<vmem>>, vector<16xf32>,
    %get3A_126 = vector.shape_cast %get3A_125 : vector<16xf32> to vector<16xf32>
    %select_n3A_127 = arith.select %eq3A_123, %get3A_126, %select_n3A_120 : vector<16xi1>, vector<16xf32>
    %eq3A_128 = arith.constant 0 : i32
    %eq3A_129 = vector.broadcast %eq3A_128 : i32 to vector<16xi32>
    %eq3A_130 = arith.cmpi eq, %get3A_1, %eq3A_129 : vector<16xi32>
    %get3A_131 = arith.constant 64 : index
    %get3A_132 = tpu.vector_load %arg6[%get3A_131] {strides = array<i32>} : memref<1024xf32, #tpu.memory_space<vmem>>, vector<16xf32>,
    %get3A_133 = vector.shape_cast %get3A_132 : vector<16xf32> to vector<16xf32>
    %select_n3A_134 = arith.select %eq3A_130, %get3A_133, %select_n3A_127 : vector<16xi1>, vector<16xf32>
    %swap3A_135 = arith.constant 64 : index
    %swap3A_136 = tpu.vector_load %arg7[%swap3A_135] {strides = array<i32>} : memref<256xf32, #tpu.memory_space<vmem>>, vector<16xf32>,
    %swap3A_137 = vector.shape_cast %swap3A_136 : vector<16xf32> to vector<16xf32>
    %swap3A_138 = vector.shape_cast %select_n3A_134 : vector<16xf32> to vector<16xf32>
    tpu.vector_store %arg7[%swap3A_135], %swap3A_138 {strides = array<i32>} : memref<256xf32, #tpu.memory_space<vmem>>, vector<16xf32>,
    %get3A_139 = arith.constant 848 : index
    %get3A_140 = tpu.vector_load %arg6[%get3A_139] {strides = array<i32>} : memref<1024xf32, #tpu.memory_space<vmem>>, vector<16xf32>,
    %get3A_141 = vector.shape_cast %get3A_140 : vector<16xf32> to vector<16xf32>
    %eq3A_142 = arith.constant 2 : i32
    %eq3A_143 = vector.broadcast %eq3A_142 : i32 to vector<16xi32>
    %eq3A_144 = arith.cmpi eq, %get3A_1, %eq3A_143 : vector<16xi32>
    %get3A_145 = arith.constant 592 : index
    %get3A_146 = tpu.vector_load %arg6[%get3A_145] {strides = array<i32>} : memref<1024xf32, #tpu.memory_space<vmem>>, vector<16xf32>,
    %get3A_147 = vector.shape_cast %get3A_146 : vector<16xf32> to vector<16xf32>
    %select_n3A_148 = arith.select %eq3A_144, %get3A_147, %get3A_141 : vector<16xi1>, vector<16xf32>
    %eq3A_149 = arith.constant 1 : i32
    %eq3A_150 = vector.broadcast %eq3A_149 : i32 to vector<16xi32>
    %eq3A_151 = arith.cmpi eq, %get3A_1, %eq3A_150 : vector<16xi32>
    %get3A_152 = arith.constant 336 : index
    %get3A_153 = tpu.vector_load %arg6[%get3A_152] {strides = array<i32>} : memref<1024xf32, #tpu.memory_space<vmem>>, vector<16xf32>,
    %get3A_154 = vector.shape_cast %get3A_153 : vector<16xf32> to vector<16xf32>
    %select_n3A_155 = arith.select %eq3A_151, %get3A_154, %select_n3A_148 : vector<16xi1>, vector<16xf32>
    %eq3A_156 = arith.constant 0 : i32
    %eq3A_157 = vector.broadcast %eq3A_156 : i32 to vector<16xi32>
    %eq3A_158 = arith.cmpi eq, %get3A_1, %eq3A_157 : vector<16xi32>
    %get3A_159 = arith.constant 80 : index
    %get3A_160 = tpu.vector_load %arg6[%get3A_159] {strides = array<i32>} : memref<1024xf32, #tpu.memory_space<vmem>>, vector<16xf32>,
    %get3A_161 = vector.shape_cast %get3A_160 : vector<16xf32> to vector<16xf32>
    %select_n3A_162 = arith.select %eq3A_158, %get3A_161, %select_n3A_155 : vector<16xi1>, vector<16xf32>
    %swap3A_163 = arith.constant 80 : index
    %swap3A_164 = tpu.vector_load %arg7[%swap3A_163] {strides = array<i32>} : memref<256xf32, #tpu.memory_space<vmem>>, vector<16xf32>,
    %swap3A_165 = vector.shape_cast %swap3A_164 : vector<16xf32> to vector<16xf32>
    %swap3A_166 = vector.shape_cast %select_n3A_162 : vector<16xf32> to vector<16xf32>
    tpu.vector_store %arg7[%swap3A_163], %swap3A_166 {strides = array<i32>} : memref<256xf32, #tpu.memory_space<vmem>>, vector<16xf32>,
    %get3A_167 = arith.constant 864 : index
    %get3A_168 = tpu.vector_load %arg6[%get3A_167] {strides = array<i32>} : memref<1024xf32, #tpu.memory_space<vmem>>, vector<16xf32>,
    %get3A_169 = vector.shape_cast %get3A_168 : vector<16xf32> to vector<16xf32>
    %eq3A_170 = arith.constant 2 : i32
    %eq3A_171 = vector.broadcast %eq3A_170 : i32 to vector<16xi32>
    %eq3A_172 = arith.cmpi eq, %get3A_1, %eq3A_171 : vector<16xi32>
    %get3A_173 = arith.constant 608 : index
    %get3A_174 = tpu.vector_load %arg6[%get3A_173] {strides = array<i32>} : memref<1024xf32, #tpu.memory_space<vmem>>, vector<16xf32>,
    %get3A_175 = vector.shape_cast %get3A_174 : vector<16xf32> to vector<16xf32>
    %select_n3A_176 = arith.select %eq3A_172, %get3A_175, %get3A_169 : vector<16xi1>, vector<16xf32>
    %eq3A_177 = arith.constant 1 : i32
    %eq3A_178 = vector.broadcast %eq3A_177 : i32 to vector<16xi32>
    %eq3A_179 = arith.cmpi eq, %get3A_1, %eq3A_178 : vector<16xi32>
    %get3A_180 = arith.constant 352 : index
    %get3A_181 = tpu.vector_load %arg6[%get3A_180] {strides = array<i32>} : memref<1024xf32, #tpu.memory_space<vmem>>, vector<16xf32>,
    %get3A_182 = vector.shape_cast %get3A_181 : vector<16xf32> to vector<16xf32>
    %select_n3A_183 = arith.select %eq3A_179, %get3A_182, %select_n3A_176 : vector<16xi1>, vector<16xf32>
    %eq3A_184 = arith.constant 0 : i32
    %eq3A_185 = vector.broadcast %eq3A_184 : i32 to vector<16xi32>
    %eq3A_186 = arith.cmpi eq, %get3A_1, %eq3A_185 : vector<16xi32>
    %get3A_187 = arith.constant 96 : index
    %get3A_188 = tpu.vector_load %arg6[%get3A_187] {strides = array<i32>} : memref<1024xf32, #tpu.memory_space<vmem>>, vector<16xf32>,
    %get3A_189 = vector.shape_cast %get3A_188 : vector<16xf32> to vector<16xf32>
    %select_n3A_190 = arith.select %eq3A_186, %get3A_189, %select_n3A_183 : vector<16xi1>, vector<16xf32>
    %swap3A_191 = arith.constant 96 : index
    %swap3A_192 = tpu.vector_load %arg7[%swap3A_191] {strides = array<i32>} : memref<256xf32, #tpu.memory_space<vmem>>, vector<16xf32>,
    %swap3A_193 = vector.shape_cast %swap3A_192 : vector<16xf32> to vector<16xf32>
    %swap3A_194 = vector.shape_cast %select_n3A_190 : vector<16xf32> to vector<16xf32>
    tpu.vector_store %arg7[%swap3A_191], %swap3A_194 {strides = array<i32>} : memref<256xf32, #tpu.memory_space<vmem>>, vector<16xf32>,
    %get3A_195 = arith.constant 880 : index
    %get3A_196 = tpu.vector_load %arg6[%get3A_195] {strides = array<i32>} : memref<1024xf32, #tpu.memory_space<vmem>>, vector<16xf32>,
    %get3A_197 = vector.shape_cast %get3A_196 : vector<16xf32> to vector<16xf32>
    %eq3A_198 = arith.constant 2 : i32
    %eq3A_199 = vector.broadcast %eq3A_198 : i32 to vector<16xi32>
    %eq3A_200 = arith.cmpi eq, %get3A_1, %eq3A_199 : vector<16xi32>
    %get3A_201 = arith.constant 624 : index
    %get3A_202 = tpu.vector_load %arg6[%get3A_201] {strides = array<i32>} : memref<1024xf32, #tpu.memory_space<vmem>>, vector<16xf32>,
    %get3A_203 = vector.shape_cast %get3A_202 : vector<16xf32> to vector<16xf32>
    %select_n3A_204 = arith.select %eq3A_200, %get3A_203, %get3A_197 : vector<16xi1>, vector<16xf32>
    %eq3A_205 = arith.constant 1 : i32
    %eq3A_206 = vector.broadcast %eq3A_205 : i32 to vector<16xi32>
    %eq3A_207 = arith.cmpi eq, %get3A_1, %eq3A_206 : vector<16xi32>
    %get3A_208 = arith.constant 368 : index
    %get3A_209 = tpu.vector_load %arg6[%get3A_208] {strides = array<i32>} : memref<1024xf32, #tpu.memory_space<vmem>>, vector<16xf32>,
    %get3A_210 = vector.shape_cast %get3A_209 : vector<16xf32> to vector<16xf32>
    %select_n3A_211 = arith.select %eq3A_207, %get3A_210, %select_n3A_204 : vector<16xi1>, vector<16xf32>
    %eq3A_212 = arith.constant 0 : i32
    %eq3A_213 = vector.broadcast %eq3A_212 : i32 to vector<16xi32>
    %eq3A_214 = arith.cmpi eq, %get3A_1, %eq3A_213 : vector<16xi32>
    %get3A_215 = arith.constant 112 : index
    %get3A_216 = tpu.vector_load %arg6[%get3A_215] {strides = array<i32>} : memref<1024xf32, #tpu.memory_space<vmem>>, vector<16xf32>,
    %get3A_217 = vector.shape_cast %get3A_216 : vector<16xf32> to vector<16xf32>
    %select_n3A_218 = arith.select %eq3A_214, %get3A_217, %select_n3A_211 : vector<16xi1>, vector<16xf32>
    %swap3A_219 = arith.constant 112 : index
    %swap3A_220 = tpu.vector_load %arg7[%swap3A_219] {strides = array<i32>} : memref<256xf32, #tpu.memory_space<vmem>>, vector<16xf32>,
    %swap3A_221 = vector.shape_cast %swap3A_220 : vector<16xf32> to vector<16xf32>
    %swap3A_222 = vector.shape_cast %select_n3A_218 : vector<16xf32> to vector<16xf32>
    tpu.vector_store %arg7[%swap3A_219], %swap3A_222 {strides = array<i32>} : memref<256xf32, #tpu.memory_space<vmem>>, vector<16xf32>,
    %get3A_223 = arith.constant 896 : index
    %get3A_224 = tpu.vector_load %arg6[%get3A_223] {strides = array<i32>} : memref<1024xf32, #tpu.memory_space<vmem>>, vector<16xf32>,
    %get3A_225 = vector.shape_cast %get3A_224 : vector<16xf32> to vector<16xf32>
    %eq3A_226 = arith.constant 2 : i32
    %eq3A_227 = vector.broadcast %eq3A_226 : i32 to vector<16xi32>
    %eq3A_228 = arith.cmpi eq, %get3A_1, %eq3A_227 : vector<16xi32>
    %get3A_229 = arith.constant 640 : index
    %get3A_230 = tpu.vector_load %arg6[%get3A_229] {strides = array<i32>} : memref<1024xf32, #tpu.memory_space<vmem>>, vector<16xf32>,
    %get3A_231 = vector.shape_cast %get3A_230 : vector<16xf32> to vector<16xf32>
    %select_n3A_232 = arith.select %eq3A_228, %get3A_231, %get3A_225 : vector<16xi1>, vector<16xf32>
    %eq3A_233 = arith.constant 1 : i32
    %eq3A_234 = vector.broadcast %eq3A_233 : i32 to vector<16xi32>
    %eq3A_235 = arith.cmpi eq, %get3A_1, %eq3A_234 : vector<16xi32>
    %get3A_236 = arith.constant 384 : index
    %get3A_237 = tpu.vector_load %arg6[%get3A_236] {strides = array<i32>} : memref<1024xf32, #tpu.memory_space<vmem>>, vector<16xf32>,
    %get3A_238 = vector.shape_cast %get3A_237 : vector<16xf32> to vector<16xf32>
    %select_n3A_239 = arith.select %eq3A_235, %get3A_238, %select_n3A_232 : vector<16xi1>, vector<16xf32>
    %eq3A_240 = arith.constant 0 : i32
    %eq3A_241 = vector.broadcast %eq3A_240 : i32 to vector<16xi32>
    %eq3A_242 = arith.cmpi eq, %get3A_1, %eq3A_241 : vector<16xi32>
    %get3A_243 = arith.constant 128 : index
    %get3A_244 = tpu.vector_load %arg6[%get3A_243] {strides = array<i32>} : memref<1024xf32, #tpu.memory_space<vmem>>, vector<16xf32>,
    %get3A_245 = vector.shape_cast %get3A_244 : vector<16xf32> to vector<16xf32>
    %select_n3A_246 = arith.select %eq3A_242, %get3A_245, %select_n3A_239 : vector<16xi1>, vector<16xf32>
    %swap3A_247 = arith.constant 128 : index
    %swap3A_248 = tpu.vector_load %arg7[%swap3A_247] {strides = array<i32>} : memref<256xf32, #tpu.memory_space<vmem>>, vector<16xf32>,
    %swap3A_249 = vector.shape_cast %swap3A_248 : vector<16xf32> to vector<16xf32>
    %swap3A_250 = vector.shape_cast %select_n3A_246 : vector<16xf32> to vector<16xf32>
    tpu.vector_store %arg7[%swap3A_247], %swap3A_250 {strides = array<i32>} : memref<256xf32, #tpu.memory_space<vmem>>, vector<16xf32>,
    %get3A_251 = arith.constant 912 : index
    %get3A_252 = tpu.vector_load %arg6[%get3A_251] {strides = array<i32>} : memref<1024xf32, #tpu.memory_space<vmem>>, vector<16xf32>,
    %get3A_253 = vector.shape_cast %get3A_252 : vector<16xf32> to vector<16xf32>
    %eq3A_254 = arith.constant 2 : i32
    %eq3A_255 = vector.broadcast %eq3A_254 : i32 to vector<16xi32>
    %eq3A_256 = arith.cmpi eq, %get3A_1, %eq3A_255 : vector<16xi32>
    %get3A_257 = arith.constant 656 : index
    %get3A_258 = tpu.vector_load %arg6[%get3A_257] {strides = array<i32>} : memref<1024xf32, #tpu.memory_space<vmem>>, vector<16xf32>,
    %get3A_259 = vector.shape_cast %get3A_258 : vector<16xf32> to vector<16xf32>
    %select_n3A_260 = arith.select %eq3A_256, %get3A_259, %get3A_253 : vector<16xi1>, vector<16xf32>
    %eq3A_261 = arith.constant 1 : i32
    %eq3A_262 = vector.broadcast %eq3A_261 : i32 to vector<16xi32>
    %eq3A_263 = arith.cmpi eq, %get3A_1, %eq3A_262 : vector<16xi32>
    %get3A_264 = arith.constant 400 : index
    %get3A_265 = tpu.vector_load %arg6[%get3A_264] {strides = array<i32>} : memref<1024xf32, #tpu.memory_space<vmem>>, vector<16xf32>,
    %get3A_266 = vector.shape_cast %get3A_265 : vector<16xf32> to vector<16xf32>
    %select_n3A_267 = arith.select %eq3A_263, %get3A_266, %select_n3A_260 : vector<16xi1>, vector<16xf32>
    %eq3A_268 = arith.constant 0 : i32
    %eq3A_269 = vector.broadcast %eq3A_268 : i32 to vector<16xi32>
    %eq3A_270 = arith.cmpi eq, %get3A_1, %eq3A_269 : vector<16xi32>
    %get3A_271 = arith.constant 144 : index
    %get3A_272 = tpu.vector_load %arg6[%get3A_271] {strides = array<i32>} : memref<1024xf32, #tpu.memory_space<vmem>>, vector<16xf32>,
    %get3A_273 = vector.shape_cast %get3A_272 : vector<16xf32> to vector<16xf32>
    %select_n3A_274 = arith.select %eq3A_270, %get3A_273, %select_n3A_267 : vector<16xi1>, vector<16xf32>
    %swap3A_275 = arith.constant 144 : index
    %swap3A_276 = tpu.vector_load %arg7[%swap3A_275] {strides = array<i32>} : memref<256xf32, #tpu.memory_space<vmem>>, vector<16xf32>,
    %swap3A_277 = vector.shape_cast %swap3A_276 : vector<16xf32> to vector<16xf32>
    %swap3A_278 = vector.shape_cast %select_n3A_274 : vector<16xf32> to vector<16xf32>
    tpu.vector_store %arg7[%swap3A_275], %swap3A_278 {strides = array<i32>} : memref<256xf32, #tpu.memory_space<vmem>>, vector<16xf32>,
    %get3A_279 = arith.constant 928 : index
    %get3A_280 = tpu.vector_load %arg6[%get3A_279] {strides = array<i32>} : memref<1024xf32, #tpu.memory_space<vmem>>, vector<16xf32>,
    %get3A_281 = vector.shape_cast %get3A_280 : vector<16xf32> to vector<16xf32>
    %eq3A_282 = arith.constant 2 : i32
    %eq3A_283 = vector.broadcast %eq3A_282 : i32 to vector<16xi32>
    %eq3A_284 = arith.cmpi eq, %get3A_1, %eq3A_283 : vector<16xi32>
    %get3A_285 = arith.constant 672 : index
    %get3A_286 = tpu.vector_load %arg6[%get3A_285] {strides = array<i32>} : memref<1024xf32, #tpu.memory_space<vmem>>, vector<16xf32>,
    %get3A_287 = vector.shape_cast %get3A_286 : vector<16xf32> to vector<16xf32>
    %select_n3A_288 = arith.select %eq3A_284, %get3A_287, %get3A_281 : vector<16xi1>, vector<16xf32>
    %eq3A_289 = arith.constant 1 : i32
    %eq3A_290 = vector.broadcast %eq3A_289 : i32 to vector<16xi32>
    %eq3A_291 = arith.cmpi eq, %get3A_1, %eq3A_290 : vector<16xi32>
    %get3A_292 = arith.constant 416 : index
    %get3A_293 = tpu.vector_load %arg6[%get3A_292] {strides = array<i32>} : memref<1024xf32, #tpu.memory_space<vmem>>, vector<16xf32>,
    %get3A_294 = vector.shape_cast %get3A_293 : vector<16xf32> to vector<16xf32>
    %select_n3A_295 = arith.select %eq3A_291, %get3A_294, %select_n3A_288 : vector<16xi1>, vector<16xf32>
    %eq3A_296 = arith.constant 0 : i32
    %eq3A_297 = vector.broadcast %eq3A_296 : i32 to vector<16xi32>
    %eq3A_298 = arith.cmpi eq, %get3A_1, %eq3A_297 : vector<16xi32>
    %get3A_299 = arith.constant 160 : index
    %get3A_300 = tpu.vector_load %arg6[%get3A_299] {strides = array<i32>} : memref<1024xf32, #tpu.memory_space<vmem>>, vector<16xf32>,
    %get3A_301 = vector.shape_cast %get3A_300 : vector<16xf32> to vector<16xf32>
    %select_n3A_302 = arith.select %eq3A_298, %get3A_301, %select_n3A_295 : vector<16xi1>, vector<16xf32>
    %swap3A_303 = arith.constant 160 : index
    %swap3A_304 = tpu.vector_load %arg7[%swap3A_303] {strides = array<i32>} : memref<256xf32, #tpu.memory_space<vmem>>, vector<16xf32>,
    %swap3A_305 = vector.shape_cast %swap3A_304 : vector<16xf32> to vector<16xf32>
    %swap3A_306 = vector.shape_cast %select_n3A_302 : vector<16xf32> to vector<16xf32>
    tpu.vector_store %arg7[%swap3A_303], %swap3A_306 {strides = array<i32>} : memref<256xf32, #tpu.memory_space<vmem>>, vector<16xf32>,
    %get3A_307 = arith.constant 944 : index
    %get3A_308 = tpu.vector_load %arg6[%get3A_307] {strides = array<i32>} : memref<1024xf32, #tpu.memory_space<vmem>>, vector<16xf32>,
    %get3A_309 = vector.shape_cast %get3A_308 : vector<16xf32> to vector<16xf32>
    %eq3A_310 = arith.constant 2 : i32
    %eq3A_311 = vector.broadcast %eq3A_310 : i32 to vector<16xi32>
    %eq3A_312 = arith.cmpi eq, %get3A_1, %eq3A_311 : vector<16xi32>
    %get3A_313 = arith.constant 688 : index
    %get3A_314 = tpu.vector_load %arg6[%get3A_313] {strides = array<i32>} : memref<1024xf32, #tpu.memory_space<vmem>>, vector<16xf32>,
    %get3A_315 = vector.shape_cast %get3A_314 : vector<16xf32> to vector<16xf32>
    %select_n3A_316 = arith.select %eq3A_312, %get3A_315, %get3A_309 : vector<16xi1>, vector<16xf32>
    %eq3A_317 = arith.constant 1 : i32
    %eq3A_318 = vector.broadcast %eq3A_317 : i32 to vector<16xi32>
    %eq3A_319 = arith.cmpi eq, %get3A_1, %eq3A_318 : vector<16xi32>
    %get3A_320 = arith.constant 432 : index
    %get3A_321 = tpu.vector_load %arg6[%get3A_320] {strides = array<i32>} : memref<1024xf32, #tpu.memory_space<vmem>>, vector<16xf32>,
    %get3A_322 = vector.shape_cast %get3A_321 : vector<16xf32> to vector<16xf32>
    %select_n3A_323 = arith.select %eq3A_319, %get3A_322, %select_n3A_316 : vector<16xi1>, vector<16xf32>
    %eq3A_324 = arith.constant 0 : i32
    %eq3A_325 = vector.broadcast %eq3A_324 : i32 to vector<16xi32>
    %eq3A_326 = arith.cmpi eq, %get3A_1, %eq3A_325 : vector<16xi32>
    %get3A_327 = arith.constant 176 : index
    %get3A_328 = tpu.vector_load %arg6[%get3A_327] {strides = array<i32>} : memref<1024xf32, #tpu.memory_space<vmem>>, vector<16xf32>,
    %get3A_329 = vector.shape_cast %get3A_328 : vector<16xf32> to vector<16xf32>
    %select_n3A_330 = arith.select %eq3A_326, %get3A_329, %select_n3A_323 : vector<16xi1>, vector<16xf32>
    %swap3A_331 = arith.constant 176 : index
    %swap3A_332 = tpu.vector_load %arg7[%swap3A_331] {strides = array<i32>} : memref<256xf32, #tpu.memory_space<vmem>>, vector<16xf32>,
    %swap3A_333 = vector.shape_cast %swap3A_332 : vector<16xf32> to vector<16xf32>
    %swap3A_334 = vector.shape_cast %select_n3A_330 : vector<16xf32> to vector<16xf32>
    tpu.vector_store %arg7[%swap3A_331], %swap3A_334 {strides = array<i32>} : memref<256xf32, #tpu.memory_space<vmem>>, vector<16xf32>,
    %get3A_335 = arith.constant 960 : index
    %get3A_336 = tpu.vector_load %arg6[%get3A_335] {strides = array<i32>} : memref<1024xf32, #tpu.memory_space<vmem>>, vector<16xf32>,
    %get3A_337 = vector.shape_cast %get3A_336 : vector<16xf32> to vector<16xf32>
    %eq3A_338 = arith.constant 2 : i32
    %eq3A_339 = vector.broadcast %eq3A_338 : i32 to vector<16xi32>
    %eq3A_340 = arith.cmpi eq, %get3A_1, %eq3A_339 : vector<16xi32>
    %get3A_341 = arith.constant 704 : index
    %get3A_342 = tpu.vector_load %arg6[%get3A_341] {strides = array<i32>} : memref<1024xf32, #tpu.memory_space<vmem>>, vector<16xf32>,
    %get3A_343 = vector.shape_cast %get3A_342 : vector<16xf32> to vector<16xf32>
    %select_n3A_344 = arith.select %eq3A_340, %get3A_343, %get3A_337 : vector<16xi1>, vector<16xf32>
    %eq3A_345 = arith.constant 1 : i32
    %eq3A_346 = vector.broadcast %eq3A_345 : i32 to vector<16xi32>
    %eq3A_347 = arith.cmpi eq, %get3A_1, %eq3A_346 : vector<16xi32>
    %get3A_348 = arith.constant 448 : index
    %get3A_349 = tpu.vector_load %arg6[%get3A_348] {strides = array<i32>} : memref<1024xf32, #tpu.memory_space<vmem>>, vector<16xf32>,
    %get3A_350 = vector.shape_cast %get3A_349 : vector<16xf32> to vector<16xf32>
    %select_n3A_351 = arith.select %eq3A_347, %get3A_350, %select_n3A_344 : vector<16xi1>, vector<16xf32>
    %eq3A_352 = arith.constant 0 : i32
    %eq3A_353 = vector.broadcast %eq3A_352 : i32 to vector<16xi32>
    %eq3A_354 = arith.cmpi eq, %get3A_1, %eq3A_353 : vector<16xi32>
    %get3A_355 = arith.constant 192 : index
    %get3A_356 = tpu.vector_load %arg6[%get3A_355] {strides = array<i32>} : memref<1024xf32, #tpu.memory_space<vmem>>, vector<16xf32>,
    %get3A_357 = vector.shape_cast %get3A_356 : vector<16xf32> to vector<16xf32>
    %select_n3A_358 = arith.select %eq3A_354, %get3A_357, %select_n3A_351 : vector<16xi1>, vector<16xf32>
    %swap3A_359 = arith.constant 192 : index
    %swap3A_360 = tpu.vector_load %arg7[%swap3A_359] {strides = array<i32>} : memref<256xf32, #tpu.memory_space<vmem>>, vector<16xf32>,
    %swap3A_361 = vector.shape_cast %swap3A_360 : vector<16xf32> to vector<16xf32>
    %swap3A_362 = vector.shape_cast %select_n3A_358 : vector<16xf32> to vector<16xf32>
    tpu.vector_store %arg7[%swap3A_359], %swap3A_362 {strides = array<i32>} : memref<256xf32, #tpu.memory_space<vmem>>, vector<16xf32>,
    %get3A_363 = arith.constant 976 : index
    %get3A_364 = tpu.vector_load %arg6[%get3A_363] {strides = array<i32>} : memref<1024xf32, #tpu.memory_space<vmem>>, vector<16xf32>,
    %get3A_365 = vector.shape_cast %get3A_364 : vector<16xf32> to vector<16xf32>
    %eq3A_366 = arith.constant 2 : i32
    %eq3A_367 = vector.broadcast %eq3A_366 : i32 to vector<16xi32>
    %eq3A_368 = arith.cmpi eq, %get3A_1, %eq3A_367 : vector<16xi32>
    %get3A_369 = arith.constant 720 : index
    %get3A_370 = tpu.vector_load %arg6[%get3A_369] {strides = array<i32>} : memref<1024xf32, #tpu.memory_space<vmem>>, vector<16xf32>,
    %get3A_371 = vector.shape_cast %get3A_370 : vector<16xf32> to vector<16xf32>
    %select_n3A_372 = arith.select %eq3A_368, %get3A_371, %get3A_365 : vector<16xi1>, vector<16xf32>
    %eq3A_373 = arith.constant 1 : i32
    %eq3A_374 = vector.broadcast %eq3A_373 : i32 to vector<16xi32>
    %eq3A_375 = arith.cmpi eq, %get3A_1, %eq3A_374 : vector<16xi32>
    %get3A_376 = arith.constant 464 : index
    %get3A_377 = tpu.vector_load %arg6[%get3A_376] {strides = array<i32>} : memref<1024xf32, #tpu.memory_space<vmem>>, vector<16xf32>,
    %get3A_378 = vector.shape_cast %get3A_377 : vector<16xf32> to vector<16xf32>
    %select_n3A_379 = arith.select %eq3A_375, %get3A_378, %select_n3A_372 : vector<16xi1>, vector<16xf32>
    %eq3A_380 = arith.constant 0 : i32
    %eq3A_381 = vector.broadcast %eq3A_380 : i32 to vector<16xi32>
    %eq3A_382 = arith.cmpi eq, %get3A_1, %eq3A_381 : vector<16xi32>
    %get3A_383 = arith.constant 208 : index
    %get3A_384 = tpu.vector_load %arg6[%get3A_383] {strides = array<i32>} : memref<1024xf32, #tpu.memory_space<vmem>>, vector<16xf32>,
    %get3A_385 = vector.shape_cast %get3A_384 : vector<16xf32> to vector<16xf32>
    %select_n3A_386 = arith.select %eq3A_382, %get3A_385, %select_n3A_379 : vector<16xi1>, vector<16xf32>
    %swap3A_387 = arith.constant 208 : index
    %swap3A_388 = tpu.vector_load %arg7[%swap3A_387] {strides = array<i32>} : memref<256xf32, #tpu.memory_space<vmem>>, vector<16xf32>,
    %swap3A_389 = vector.shape_cast %swap3A_388 : vector<16xf32> to vector<16xf32>
    %swap3A_390 = vector.shape_cast %select_n3A_386 : vector<16xf32> to vector<16xf32>
    tpu.vector_store %arg7[%swap3A_387], %swap3A_390 {strides = array<i32>} : memref<256xf32, #tpu.memory_space<vmem>>, vector<16xf32>,
    %get3A_391 = arith.constant 992 : index
    %get3A_392 = tpu.vector_load %arg6[%get3A_391] {strides = array<i32>} : memref<1024xf32, #tpu.memory_space<vmem>>, vector<16xf32>,
    %get3A_393 = vector.shape_cast %get3A_392 : vector<16xf32> to vector<16xf32>
    %eq3A_394 = arith.constant 2 : i32
    %eq3A_395 = vector.broadcast %eq3A_394 : i32 to vector<16xi32>
    %eq3A_396 = arith.cmpi eq, %get3A_1, %eq3A_395 : vector<16xi32>
    %get3A_397 = arith.constant 736 : index
    %get3A_398 = tpu.vector_load %arg6[%get3A_397] {strides = array<i32>} : memref<1024xf32, #tpu.memory_space<vmem>>, vector<16xf32>,
    %get3A_399 = vector.shape_cast %get3A_398 : vector<16xf32> to vector<16xf32>
    %select_n3A_400 = arith.select %eq3A_396, %get3A_399, %get3A_393 : vector<16xi1>, vector<16xf32>
    %eq3A_401 = arith.constant 1 : i32
    %eq3A_402 = vector.broadcast %eq3A_401 : i32 to vector<16xi32>
    %eq3A_403 = arith.cmpi eq, %get3A_1, %eq3A_402 : vector<16xi32>
    %get3A_404 = arith.constant 480 : index
    %get3A_405 = tpu.vector_load %arg6[%get3A_404] {strides = array<i32>} : memref<1024xf32, #tpu.memory_space<vmem>>, vector<16xf32>,
    %get3A_406 = vector.shape_cast %get3A_405 : vector<16xf32> to vector<16xf32>
    %select_n3A_407 = arith.select %eq3A_403, %get3A_406, %select_n3A_400 : vector<16xi1>, vector<16xf32>
    %eq3A_408 = arith.constant 0 : i32
    %eq3A_409 = vector.broadcast %eq3A_408 : i32 to vector<16xi32>
    %eq3A_410 = arith.cmpi eq, %get3A_1, %eq3A_409 : vector<16xi32>
    %get3A_411 = arith.constant 224 : index
    %get3A_412 = tpu.vector_load %arg6[%get3A_411] {strides = array<i32>} : memref<1024xf32, #tpu.memory_space<vmem>>, vector<16xf32>,
    %get3A_413 = vector.shape_cast %get3A_412 : vector<16xf32> to vector<16xf32>
    %select_n3A_414 = arith.select %eq3A_410, %get3A_413, %select_n3A_407 : vector<16xi1>, vector<16xf32>
    %swap3A_415 = arith.constant 224 : index
    %swap3A_416 = tpu.vector_load %arg7[%swap3A_415] {strides = array<i32>} : memref<256xf32, #tpu.memory_space<vmem>>, vector<16xf32>,
    %swap3A_417 = vector.shape_cast %swap3A_416 : vector<16xf32> to vector<16xf32>
    %swap3A_418 = vector.shape_cast %select_n3A_414 : vector<16xf32> to vector<16xf32>
    tpu.vector_store %arg7[%swap3A_415], %swap3A_418 {strides = array<i32>} : memref<256xf32, #tpu.memory_space<vmem>>, vector<16xf32>,
    %get3A_419 = arith.constant 1008 : index
    %get3A_420 = tpu.vector_load %arg6[%get3A_419] {strides = array<i32>} : memref<1024xf32, #tpu.memory_space<vmem>>, vector<16xf32>,
    %get3A_421 = vector.shape_cast %get3A_420 : vector<16xf32> to vector<16xf32>
    %eq3A_422 = arith.constant 2 : i32
    %eq3A_423 = vector.broadcast %eq3A_422 : i32 to vector<16xi32>
    %eq3A_424 = arith.cmpi eq, %get3A_1, %eq3A_423 : vector<16xi32>
    %get3A_425 = arith.constant 752 : index
    %get3A_426 = tpu.vector_load %arg6[%get3A_425] {strides = array<i32>} : memref<1024xf32, #tpu.memory_space<vmem>>, vector<16xf32>,
    %get3A_427 = vector.shape_cast %get3A_426 : vector<16xf32> to vector<16xf32>
    %select_n3A_428 = arith.select %eq3A_424, %get3A_427, %get3A_421 : vector<16xi1>, vector<16xf32>
    %eq3A_429 = arith.constant 1 : i32
    %eq3A_430 = vector.broadcast %eq3A_429 : i32 to vector<16xi32>
    %eq3A_431 = arith.cmpi eq, %get3A_1, %eq3A_430 : vector<16xi32>
    %get3A_432 = arith.constant 496 : index
    %get3A_433 = tpu.vector_load %arg6[%get3A_432] {strides = array<i32>} : memref<1024xf32, #tpu.memory_space<vmem>>, vector<16xf32>,
    %get3A_434 = vector.shape_cast %get3A_433 : vector<16xf32> to vector<16xf32>
    %select_n3A_435 = arith.select %eq3A_431, %get3A_434, %select_n3A_428 : vector<16xi1>, vector<16xf32>
    %eq3A_436 = arith.constant 0 : i32
    %eq3A_437 = vector.broadcast %eq3A_436 : i32 to vector<16xi32>
    %eq3A_438 = arith.cmpi eq, %get3A_1, %eq3A_437 : vector<16xi32>
    %get3A_439 = arith.constant 240 : index
    %get3A_440 = tpu.vector_load %arg6[%get3A_439] {strides = array<i32>} : memref<1024xf32, #tpu.memory_space<vmem>>, vector<16xf32>,
    %get3A_441 = vector.shape_cast %get3A_440 : vector<16xf32> to vector<16xf32>
    %select_n3A_442 = arith.select %eq3A_438, %get3A_441, %select_n3A_435 : vector<16xi1>, vector<16xf32>
    %swap3A_443 = arith.constant 240 : index
    %swap3A_444 = tpu.vector_load %arg7[%swap3A_443] {strides = array<i32>} : memref<256xf32, #tpu.memory_space<vmem>>, vector<16xf32>,
    %swap3A_445 = vector.shape_cast %swap3A_444 : vector<16xf32> to vector<16xf32>
    %swap3A_446 = vector.shape_cast %select_n3A_442 : vector<16xf32> to vector<16xf32>
    tpu.vector_store %arg7[%swap3A_443], %swap3A_446 {strides = array<i32>} : memref<256xf32, #tpu.memory_space<vmem>>, vector<16xf32>,
    "tpu.region"() ({
      %run_scoped3A = tpu.sem_alloc : memref<!tpu.dma_semaphore, #tpu.memory_space<semaphore_mem>>
      tpu.enqueue_dma source(%arg7 : memref<256xf32, #tpu.memory_space<vmem>>) target(%arg4 : memref<256xf32, #tpu.memory_space<hbm>>) target_semaphore(%run_scoped3A : memref<!tpu.dma_semaphore, #tpu.memory_space<semaphore_mem>>)
      tpu.wait_dma2 semaphore(%run_scoped3A : memref<!tpu.dma_semaphore, #tpu.memory_space<semaphore_mem>>) src(%arg7 : memref<256xf32, #tpu.memory_space<vmem>>) dst(%arg4 : memref<256xf32, #tpu.memory_space<hbm>>)
      tpu.yield
    }) : () -> ()
    return
  }
}

</mosaic_0001>

<sc_bundles>
// kernel: kernel.3.cloned.1.call-start
scs
__scs_entry_jumppad:
0x0: {  	(pc) =	sbr.rel $0x88, $3  }
0x1: {  	(tag) =	ssettag $0x0;
	lr =	simm.s32 $0x1  }
0x2: {  	[smem:$0x3F9F] =	sst lr;
	_ =	strace $0xD0000000  }
0x3: {  	_ = 	snop  }
0x4: {  	_ = 	snop  }
0x5: {  	_ = 	snop  }
0x6: {  	_ = 	snop  }
0x7: {  	_ = 	snop  }
__scs_overlays_trampoline_lowered:
0x8: {  	[smem:$0x3FAE] =	sst s0  }
0x9: {  	[smem:$0x3FAF] =	sst s1  }
0xa: {  	[smem:$0x3FB0] =	sst s2  }
0xb: {  	[smem:$0x3FB1] =	sst s3  }
0xc: {  	[smem:$0x3FB2] =	sst s4  }
0xd: {  	[smem:$0x3FB3] =	sst s5  }
0xe: {  	[smem:$0x3FB4] =	sst s6  }
0xf: {  	[smem:$0x3FB5] =	sst s7  }
0x10: {  	[smem:$0x3FB6] =	sst s8  }
0x11: {  	[smem:$0x3FB7] =	sst s9;
	s0 =	simm.s32 @!p0 $0x0  }
0x12: {  	s1 =	sld [smem:$0x3F9D];
	s0 =	simm.s32 @p0 $0x1  }
0x13: {  	[smem:$0x3FB8] =	sst s0;
	s0 =	simm.s32 @!p1 $0x0  }
0x14: {  	s2 =	sld [smem:$0x3F9C];
	s0 =	simm.s32 @p1 $0x1  }
0x15: {  	[smem:$0x3FB9] =	sst s0;
	s0 =	simm.s32 @!p2 $0x0  }
0x16: {  	s3 =	sld [smem:$0x3FDB];
	s0 =	simm.s32 @p2 $0x1  }
0x17: {  	s4 =	simm.s32 $0x1BF5;
	[smem:$0x3FBB] =	sst s0  }
0x18: {  	s0 =	sld [smem:$0x3F9E];
	_ =	swait.ge [sflag:s4], $0x0  }
0x19: {  	s7 =	sld [smem:$0x3F9F]  }
0x1a: {  	s8 =	sadd.s32 $0xFFFFE003, lr  }
0x1b: {  	s9 =	sadd.s32 $0xFFFFFEF7, lr;
	s5 =	simm.s32 $0xFFFFFFFF;
	p2 =	slt.u32 s8, $0xFFFFF086  }
0x1c: {  	p1 =	slt.u32 s9, $0xF7A;
	s5 =	simm.s32 @!p2 $0x0  }
0x1d: {  	s5 =	simm.s32 @p1 $0x1;
	p0 =	seq.s32 s7, s2  }
0x1e: {  	s7 =	smul.u32 @!p0 $0xF7A, s2;
	p2 =	seq.s32 @!p0 s5, $0x0  }
0x1f: {  	s9 =	smul.u32 $0xF7A, s1;
	s8 =	simm.s32 @!p0 $0x1BF5;
	p2 =	por !p2, p0  }
0x20: {  	[sflag:s8] =	ssyncset.s32 @!p0 $0xFFFFF086;
	s6 =	sadd.s32 @!p0 s3, s7;
	s7 =	simm.s32 @!p0 $0x108  }
0x21: {  	s3 =	sadd.s32 s3, s9;
	s6 =	sadd.s32 @!p0 $0x88, s6;
	s7 =	simm.s32 @p2 $0x1082  }
0x22: {  	[simem:s7], [sflag:s8] =	dma.local @!p0 [hbm:s6], $0xF7A  }
0x23: {  	s9 =	sor.u32 $0xD0000000, s2;
	s6 =	simm.s32 $0x108;
	_ =	swait.ge @!p0 [sflag:s8], $0x0  }
0x24: {  	s3 =	sadd.s32 $0x88, s3;
	s6 =	simm.s32 @!p1 $0x1082;
	[sflag:s4] =	ssyncset.s32 $0xFFFFF086  }
0x25: {  	[simem:s6], [sflag:s4] =	dma.local [hbm:s3], $0xF7A  }
0x26: {  	[smem:$0x3F9F] =	sst s1;
	(tag) =	ssettag s2;
	_ =	strace s9  }
0x27: {  	s1 =	sld [smem:$0x3FAF]  }
0x28: {  	s2 =	sld [smem:$0x3FB0]  }
0x29: {  	s4 =	sld [smem:$0x3FB2]  }
0x2a: {  	p0 =	seq.s32 s5, $0x0;
	s5 =	sld [smem:$0x3FB3]  }
0x2b: {  	s6 =	sld [smem:$0x3FB4]  }
0x2c: {  	s7 =	sld [smem:$0x3FB5]  }
0x2d: {  	s3 =	simm.s32 $0x108;
	s8 =	sld [smem:$0x3FB6]  }
0x2e: {  	s3 =	simm.s32 @!p0 $0x1082;
	s9 =	sld [smem:$0x3FB7]  }
0x2f: {  	lr =	sadd.s32 s0, s3;
	s0 =	sld [smem:$0x3FAE]  }
0x30: {  	s3 =	sld [smem:$0x3FB1]  }
0x31: {  	[smem:$0x3FBA] =	sst s10  }
0x32: {  	s10 =	sld [smem:$0x3FB8];
	_ =	sdelay $0x3  }
0x33: {  	p0 =	seq.s32 s10, $0x1;
	s10 =	sld [smem:$0x3FBA];
	_ =	sdelay $0x3  }
0x34: {  	[smem:$0x3FBA] =	sst s10  }
0x35: {  	s10 =	sld [smem:$0x3FB9];
	_ =	sdelay $0x3  }
0x36: {  	p1 =	seq.s32 s10, $0x1;
	s10 =	sld [smem:$0x3FBA];
	_ =	sdelay $0x3  }
0x37: {  	[smem:$0x3FBA] =	sst s10  }
0x38: {  	s10 =	sld [smem:$0x3FBB]  }
0x39: {  	_ = 	snop;
	(pc) =	sbr.ind lr, $3  }
0x3a: {  	_ = 	snop  }
0x3b: {  	_ = 	snop  }
0x3c: {  	p2 =	seq.s32 s10, $0x1;
	s10 =	sld [smem:$0x3FBA]  }
0x3d: {  	_ =	shalt  }
0x3e: {  	_ =	shalt  }
0x3f: {  	_ =	shalt  }
0x40: {  	_ =	shalt  }
0x41: {  	_ =	shalt  }
0x42: {  	_ =	shalt  }
0x43: {  	_ =	shalt  }
0x44: {  	_ =	shalt  }
0x45: {  	_ =	shalt  }
0x46: {  	_ =	shalt  }
0x47: {  	_ =	shalt  }
0x48: {  	_ =	shalt  }
0x49: {  	_ =	shalt  }
0x4a: {  	_ =	shalt  }
0x4b: {  	_ =	shalt  }
0x4c: {  	_ =	shalt  }
0x4d: {  	_ =	shalt  }
0x4e: {  	_ =	shalt  }
0x4f: {  	_ =	shalt  }
0x50: {  	_ =	shalt  }
0x51: {  	_ =	shalt  }
0x52: {  	_ =	shalt  }
0x53: {  	_ =	shalt  }
0x54: {  	_ =	shalt  }
0x55: {  	_ =	shalt  }
0x56: {  	_ =	shalt  }
0x57: {  	_ =	shalt  }
0x58: {  	_ =	shalt  }
0x59: {  	_ =	shalt  }
0x5a: {  	_ =	shalt  }
0x5b: {  	_ =	shalt  }
0x5c: {  	_ =	shalt  }
0x5d: {  	_ =	shalt  }
0x5e: {  	_ =	shalt  }
0x5f: {  	_ =	shalt  }
0x60: {  	_ =	shalt  }
0x61: {  	_ =	shalt  }
0x62: {  	_ =	shalt  }
0x63: {  	_ =	shalt  }
0x64: {  	_ =	shalt  }
0x65: {  	_ =	shalt  }
0x66: {  	_ =	shalt  }
0x67: {  	_ =	shalt  }
0x68: {  	_ =	shalt  }
0x69: {  	_ =	shalt  }
0x6a: {  	_ =	shalt  }
0x6b: {  	_ =	shalt  }
0x6c: {  	_ =	shalt  }
0x6d: {  	_ =	shalt  }
0x6e: {  	_ =	shalt  }
0x6f: {  	_ =	shalt  }
0x70: {  	_ =	shalt  }
0x71: {  	_ =	shalt  }
0x72: {  	_ =	shalt  }
0x73: {  	_ =	shalt  }
0x74: {  	_ =	shalt  }
0x75: {  	_ =	shalt  }
0x76: {  	_ =	shalt  }
0x77: {  	_ =	shalt  }
0x78: {  	_ =	shalt  }
0x79: {  	_ =	shalt  }
0x7a: {  	_ =	shalt  }
0x7b: {  	_ =	shalt  }
0x7c: {  	_ =	shalt  }
0x7d: {  	_ =	shalt  }
0x7e: {  	_ =	shalt  }
0x7f: {  	_ =	shalt  }
0x80: {  	_ =	shalt  }
0x81: {  	_ =	shalt  }
0x82: {  	_ =	shalt  }
0x83: {  	_ =	shalt  }
0x84: {  	_ =	shalt  }
0x85: {  	_ =	shalt  }
0x86: {  	_ =	shalt  }
0x87: {  	_ =	shalt  }
.Lfunc_end0:
.L_simem_size_0:
called_computation_lowered:
.L_overlay_start_0:
0x88: {  	s0 =	sld [smem:$0x3FD9]  }
0x89: {  	s1 =	sld [smem:$0x3FFE];
	_ =	sdelay $0x3  }
0x8a: {  	s0 =	sadd.s32 s1, s0  }
0x8b: {  	[smem:$0x3FC6] =	sst s0  }
0x8c: {  	_ = 	snop  }
0x8d: {  	s0 =	sld [smem:$0x3FD0];
	(tm) =	ssettm $0x1  }
0x8e: {  	s16 =	sld [smem:$0x3FFB];
	_ =	sdelay $0x3  }
0x8f: {  	_ =	strace s16  }
0x90: {  	s1 =	sld [smem:$0x3FFC];
	_ =	sdelay $0x3  }
0x91: {  	_ =	strace s1  }
0x92: {  	s1 =	sld [smem:$0x3FFD];
	_ =	sdelay $0x3  }
0x93: {  	_ =	strace s1  }
0x94: {  	_ =	strace $0x8FFFFFFF  }
0x95: {  	s17 =	sld [smem:$0x3FDB];
	_ =	sdelay $0x1  }
0x96: {  	s2 =	simm.s32 $_scs_section_size  }
0x97: {  	s3 =	simm.s32 $_size__tile_overlayer_lowered;
	s4 =	simm.s32 $_tile_overlayer_lowered  }
0x98: {  	s20 =	simm.s32 $0x1BFF;
	s19 =	sshll.u32 s4, $0x1;
	s1 =	sadd.s32 s2, s17  }
0x99: {  	s5 =	simm.s32 $0x0;
	s18 =	sshll.u32 s3, $0x1;
	s3 =	sadd.s32 s19, s1  }
0x9a: {  	[timem:s5], [sflag:s20] =	dma.local [hbm:s3], s18  }
0x9b: {  	_ =	swait.ge [sflag:s20], s18  }
0x9c: {  	s2 =	ssub.s32 $0x0, s18;
	[sflag:s20] =	ssyncset.done $0x0  }
0x9d: {  	[sflag:s20] =	ssyncadd.s32 s2;
	_ =	sdelay $0x1  }
0x9e: {  	s21 =	simm.s32 $0x1B8B  }
0x9f: {  	_ =	swait.ge [sflag:s21], $0x1  }
0xa0: {  	[sflag:s21] =	ssyncset.done $0x0  }
0xa1: {  	s23 =	simm.s32 $0x1B8E;
	s22 =	sld [smem:$0x3FFE];
	[sflag:s21] =	ssyncadd.s32 $0xFFFFFFFF  }
0xa2: {  	s24 =	simm.s32 $execute0_lowered;
	[smem:$0x3FD2] =	sst s23  }
0xa3: {  	s3 =	sshll.u32 s24, $0x1;
	_ =	strace $0x80000046;
	[dreg:$0x1] =	wrdreg $0xFFFFFFFF  }
0xa4: {  	s25 =	simm.s32 $_size_execute0_lowered;
	s1 =	sadd.s32 s1, s3;
	[dreg:$0x0] =	wrdreg $0x0  }
0xa5: {  	s3 =	sshll.u32 s25, $0x1;
	[dreg:$0x2] =	wrdreg s1  }
0xa6: {  	[dreg:$0x3] =	wrdreg s3  }
0xa7: {  	[dreg:$0x4] =	wrdreg $0xC0  }
0xa8: {  	_ =	task [dreg:s5], $0x5FFFF  }
0xa9: {  	[dreg:$0x1] =	wrdreg $0xFFFFFFFF  }
0xaa: {  	[dreg:$0x0] =	wrdreg $0x60  }
0xab: {  	[dreg:$0x2] =	wrdreg s22  }
0xac: {  	[dreg:$0x3] =	wrdreg s0  }
0xad: {  	[dreg:$0x4] =	wrdreg $0x9  }
0xae: {  	_ =	task.clear_ibuf [dreg:s5], $0x5FFFF;
	_ =	strace $0x90000046  }
0xaf: {  	s26 =	simm.s32 $0x9;
	_ =	strace $0x80000048  }
0xb0: {  	_ =	swait.ge [sflag:s26], $0x1  }
0xb1: {  	[sflag:s26] =	ssyncadd.s32 $0xFFFFFFFF  }
0xb2: {  	_ =	strace $0x90000048  }
0xb3: {  	_ =	sfence  }
0xb4: {  	s28 =	sld [smem:$0x0];
	_ =	sdelay $0x1  }
0xb5: {  	s29 =	srdreg.scid  }
0xb6: {  	s30 =	sshll.u32 s29, $0xD;
	s31 =	sshrl.u32 s29, $0x2  }
0xb7: {  	s2 =	sand.u32 $0x4000, s30;
	s1 =	sand.u32 $0x1, s29;
	s0 =	sadd.s32 s31, s28  }
0xb8: {  	s1 =	sor.u32 s2, s1;
	s0 =	sshll.u32 s0, $0x11  }
0xb9: {  	s0 =	sor.u32 s0, s1  }
0xba: {  	s0 =	sadd.s32 $0x8F2B, s0  }
0xbb: {  	[sflag:s0] =	ssyncadd.remote.s32 $0x1  }
0xbc: {  	_ =	sfence.sel $0xFFFF  }
0xbd: {  	[dreg:$0x0] =	wrdreg $0xFFFFFFFF;
	(pc) =	sbr.abs _section_cstart, $3  }
0xbe: {  	[dreg:$0x1] =	wrdreg $0xFFFFFFFF  }
0xbf: {  	_ =	task.clear_ibuf [dreg:s5], $0x2FFFF;
	_ =	strace $0x9FFFFFFF  }
0xc0: {  	(tm) =	ssettm $0x7FFFFFFF  }
0xc1: {  	_ =	shalt  }
tec
execute0_lowered:
.L_overlay_start_1:
0x0: {  	(tag) =	ssettag $0x1  }
0x1: {  	s2 =	stileid.u32  }
0x2: {  	p0 =	sne.s32 s2, $0x0  }
.Ltmp0:
0x3: {  	_ = 	snop;
	(pc) =	sbr.rel @p0 .LBB2_2-.Ltmp0, $4  }
0x4: {  	_ = 	snop  }
0x5: {  	s3 =	rddreg [dreg:$0x0]  }
0x6: {  	s1 =	rddreg [dreg:$0x1]  }
0x7: {  	s0 =	rddreg [dreg:$0x2];
	_ =	strace $0x80000047  }
0x8: {  	s4 =	sadd.s32 $0x800, s3;
	s2 =	simm.s32 $0x0  }
0x9: {  	[tilespmem:s2], [sflag:$0x1] =	stream.linear.gather [hbm4b:s4+s2], $0x80, $0x38;
	[tilespmem:$0x580] =	vst v63  }
0xa: {  	s25 =	sadd.s32 $0x600, s3;
	s26 =	simm.s32 $0x80;
	s28 =	simm.s32 $0x1  }
0xb: {  	[tilespmem:s26], [sflag:$0x2] =	stream.linear.gather [hbm4b:s25+s2], $0x400, $0x38;
	[tilespmem:$0x580] =	vst v63  }
0xc: {  	_ =	swait.ge [sflag:s28], $0x80  }
0xd: {  	[sflag:s28] =	ssyncset.done $0x0  }
0xe: {  	s29 =	simm.s32 $0x2;
	[sflag:s28] =	ssyncadd.s32 $0xFFFFFF80  }
0xf: {  	v0 =	vld [tilespmem:$0x0];
	_ =	swait.ge [sflag:s29], $0x400  }
0x10: {  	[sflag:s29] =	ssyncset.done $0x0  }
0x11: {  	[sflag:s29] =	ssyncadd.s32 $0xFFFFFC00  }
0x12: {  	v1 =	vld [tilespmem:$0x380]  }
0x13: {  	v2 =	vld [tilespmem:$0x280]  }
0x14: {  	v3 =	vld [tilespmem:$0x180]  }
0x15: {  	v4 =	vld [tilespmem:$0x80]  }
0x16: {  	v5 =	vld [tilespmem:$0x390]  }
0x17: {  	v6 =	vld [tilespmem:$0x290]  }
0x18: {  	v7 =	vld [tilespmem:$0x190]  }
0x19: {  	v8 =	vld [tilespmem:$0x90]  }
0x1a: {  	v9 =	vld [tilespmem:$0x3A0]  }
0x1b: {  	v10 =	vld [tilespmem:$0x2A0]  }
0x1c: {  	v11 =	vld [tilespmem:$0x1A0]  }
0x1d: {  	v12 =	vld [tilespmem:$0xA0]  }
0x1e: {  	v13 =	vld [tilespmem:$0x3B0]  }
0x1f: {  	v14 =	vld [tilespmem:$0x2B0]  }
0x20: {  	v15 =	vld [tilespmem:$0x1B0]  }
0x21: {  	v16 =	vld [tilespmem:$0xB0]  }
0x22: {  	v17 =	vld [tilespmem:$0x3C0]  }
0x23: {  	v18 =	vld [tilespmem:$0x2C0]  }
0x24: {  	v19 =	vld [tilespmem:$0x1C0]  }
0x25: {  	v20 =	vld [tilespmem:$0xC0]  }
0x26: {  	v21 =	vld [tilespmem:$0x3D0]  }
0x27: {  	v22 =	vld [tilespmem:$0x2D0]  }
0x28: {  	v23 =	vld [tilespmem:$0x1D0]  }
0x29: {  	v24 =	vld [tilespmem:$0xD0]  }
0x2a: {  	v25 =	vld [tilespmem:$0x3E0]  }
0x2b: {  	v26 =	vld [tilespmem:$0x2E0]  }
0x2c: {  	v27 =	vld [tilespmem:$0x1E0]  }
0x2d: {  	v28 =	vld [tilespmem:$0xE0]  }
0x2e: {  	v29 =	vld [tilespmem:$0x3F0]  }
0x2f: {  	v30 =	vld [tilespmem:$0x2F0]  }
0x30: {  	v31 =	vld [tilespmem:$0x1F0]  }
0x31: {  	v32 =	vld [tilespmem:$0xF0]  }
0x32: {  	v33 =	vld [tilespmem:$0x400]  }
0x33: {  	v34 =	vld [tilespmem:$0x300]  }
0x34: {  	v35 =	vld [tilespmem:$0x200]  }
0x35: {  	v36 =	vld [tilespmem:$0x100]  }
0x36: {  	v37 =	vld [tilespmem:$0x410]  }
0x37: {  	v38 =	vld [tilespmem:$0x310]  }
0x38: {  	v39 =	vld [tilespmem:$0x210]  }
0x39: {  	v40 =	vld [tilespmem:$0x110]  }
0x3a: {  	v41 =	vld [tilespmem:$0x420]  }
0x3b: {  	v42 =	vld [tilespmem:$0x320]  }
0x3c: {  	v43 =	vld [tilespmem:$0x220]  }
0x3d: {  	v44 =	vld [tilespmem:$0x120]  }
0x3e: {  	v45 =	vld [tilespmem:$0x430]  }
0x3f: {  	v46 =	vld [tilespmem:$0x330]  }
0x40: {  	v47 =	vld [tilespmem:$0x230]  }
0x41: {  	v48 =	vld [tilespmem:$0x130]  }
0x42: {  	v49 =	vld [tilespmem:$0x440]  }
0x43: {  	v50 =	vld [tilespmem:$0x340]  }
0x44: {  	v51 =	vld [tilespmem:$0x240];
	vm0 =	veq.s32 v0, $0x2  }
0x45: {  	v56 =	vld [tilespmem:$0x350];
	vm1 =	veq.s32 v0, $0x1;
	v1 =	vsel vm0, v2, v1  }
0x46: {  	v59 =	vld [tilespmem:$0x250];
	vm2 =	veq.s32 v0, $0x0;
	v54 =	vsel vm0, v6, v5;
	v1 =	vsel vm1, v3, v1  }
0x47: {  	v63 =	vld [tilespmem:$0x150];
	v55 =	vsel vm0, v10, v9;
	v0 =	vsel vm1, v7, v54;
	v1 =	vsel vm2, v4, v1  }
0x48: {  	v2 =	vld [tilespmem:$0x140];
	v58 =	vsel vm0, v14, v13;
	v57 =	vsel vm1, v11, v55;
	v0 =	vsel vm2, v8, v0;
	[tilespmem:$0x480] =	vst v1  }
0x49: {  	v62 =	vsel vm0, v18, v17;
	v3 =	vld [tilespmem:$0x450];
	v61 =	vsel vm1, v15, v58;
	v60 =	vsel vm2, v12, v57;
	[tilespmem:$0x490] =	vst v0  }
0x4a: {  	v18 =	vsel vm0, v22, v21;
	v17 =	vsel vm1, v19, v62;
	v19 =	vld [tilespmem:$0x460];
	v16 =	vsel vm2, v16, v61;
	[tilespmem:$0x4A0] =	vst v60  }
0x4b: {  	v22 =	vsel vm0, v26, v25;
	v21 =	vsel vm1, v23, v18;
	v23 =	vld [tilespmem:$0x360];
	v20 =	vsel vm2, v20, v17;
	[tilespmem:$0x4B0] =	vst v16  }
0x4c: {  	v26 =	vsel vm0, v30, v29;
	v25 =	vsel vm1, v27, v22;
	v27 =	vld [tilespmem:$0x260];
	v24 =	vsel vm2, v24, v21;
	[tilespmem:$0x4C0] =	vst v20  }
0x4d: {  	v30 =	vsel vm0, v34, v33;
	v29 =	vsel vm1, v31, v26;
	v31 =	vld [tilespmem:$0x160];
	v28 =	vsel vm2, v28, v25;
	[tilespmem:$0x4D0] =	vst v24  }
0x4e: {  	v34 =	vsel vm0, v38, v37;
	v33 =	vsel vm1, v35, v30;
	v35 =	vld [tilespmem:$0x470];
	v32 =	vsel vm2, v32, v29;
	[tilespmem:$0x4E0] =	vst v28  }
0x4f: {  	v38 =	vsel vm0, v42, v41;
	v37 =	vsel vm1, v39, v34;
	v39 =	vld [tilespmem:$0x370];
	v36 =	vsel vm2, v36, v33;
	[tilespmem:$0x4F0] =	vst v32  }
0x50: {  	v42 =	vsel vm1, v43, v38;
	v43 =	vsel vm0, v46, v45;
	v45 =	vld [tilespmem:$0x270];
	v41 =	vsel vm2, v40, v37;
	[tilespmem:$0x500] =	vst v36  }
0x51: {  	v52 =	vld [tilespmem:$0x170];
	v50 =	vsel vm0, v50, v49;
	v46 =	vsel vm2, v44, v42;
	v47 =	vsel vm1, v47, v43;
	[tilespmem:$0x510] =	vst v41  }
0x52: {  	v54 =	vsel vm1, v51, v50;
	[tilespmem:$0x520] =	vst v46;
	v53 =	vsel vm2, v48, v47;
	v3 =	vsel vm0, v56, v3  }
0x53: {  	[tilespmem:$0x530] =	vst v53;
	v55 =	vsel vm2, v2, v54;
	v57 =	vsel vm0, v23, v19;
	v56 =	vsel vm1, v59, v3  }
0x54: {  	[tilespmem:$0x540] =	vst v55;
	v60 =	vsel vm0, v39, v35;
	v59 =	vsel vm1, v27, v57;
	v58 =	vsel vm2, v63, v56  }
0x55: {  	v62 =	vsel vm1, v45, v60;
	v61 =	vsel vm2, v31, v59;
	[tilespmem:$0x550] =	vst v58  }
0x56: {  	v63 =	vsel vm2, v52, v62;
	[tilespmem:$0x560] =	vst v61  }
0x57: {  	s30 =	simm.s32 $0x480;
	s31 =	simm.s32 $0x3;
	[tilespmem:$0x570] =	vst v63  }
0x58: {  	[hbm4b:s1+s2] =	stream.linear.scatter [tilespmem:s30], [sflag:$0x3], $0x100, $0x38;
	[tilespmem:$0x580] =	vst v63  }
0x59: {  	_ =	swait.ge [sflag:s31], $0x100  }
0x5a: {  	[sflag:s31] =	ssyncset.done $0x0  }
0x5b: {  	[sflag:s31] =	ssyncadd.s32 $0xFFFFFF00  }
.LBB2_2:
0x5c: {  	_ =	sfence.sel $0x180000  }
0x5d: {  	[bflag:$0x0] =	sbarrier.arrive $0xFFFF  }
0x5e: {  	_ =	strace $0x90000047  }
0x5f: {  	s0 =	sadd.s32 @!p0 $0x100000, s0;
	[bflag:$0x2] =	sbarrier.arrive $0xFFFF  }
0x60: {  	[sflag:s0] =	ssyncadd.tile.s32 @!p0 $0x1;
	_ =	shalt  }
.Lfunc_end2:
_tile_overlayer_lowered:
.L_overlay_start_2:
0x61: {  	(tag) =	ssettag $0x2  }
0x62: {  	s0 =	rddreg [dreg:$0x0];
	s2 =	stileid.u32  }
0x63: {  	s1 =	rddreg [dreg:$0x1];
	p0 =	sne.s32 s2, $0x0  }
0x64: {  	s3 =	rddreg [dreg:$0x2];
	[bflag:$0x3] =	sbarrier.arrive $0xFFFF;
	s2 =	simm.s32 @!p0 $0x1C03  }
0x65: {  	[timem:s3], [sflag:s2] =	dma.local @!p0 [hbm:s0], s1  }
0x66: {  	s0 =	simm.s32 @!p0 $0x3  }
0x67: {  	_ =	swait.ge @!p0 [sflag:s0], s1  }
0x68: {  	s1 =	ssub.s32 @!p0 $0x0, s1;
	[sflag:s0] =	ssyncset.done @!p0 $0x0  }
0x69: {  	[sflag:s0] =	ssyncadd.s32 @!p0 s1  }
0x6a: {  	[bflag:$0x3] =	sbarrier.arrive $0xFFFF  }
0x6b: {  	_ =	shalt  }

</sc_bundles>
